<compile_context>
chip_gen: v7x
topology: tpu7x:2x2x1
jax: 0.10.2.dev20260603
libtpu: 0.0.44.dev20260713+nightly
codegen_flags: <defaults>
</compile_context>

<pallas_src>
import functools

import jax
import jax.numpy as jnp
from jax import lax
from jax.experimental import pallas as pl
from jax.experimental.pallas import tpu as pltpu
from jax.experimental.pallas import tpu_sc as plsc

N_NODES = 10000
D = 128
NC, NS = 2, 16
NW = NC * NS
B = 128
CPP = 40
NPASS = 2
ACC_ROWS = 10240
ROWS_PER_TILE = ACC_ROWS // NS


def _sc_partials(x, src3, dst3, zeros):
    npass, cpp = src3.shape[1], src3.shape[2]
    mesh = plsc.VectorSubcoreMesh(core_axis_name="c", subcore_axis_name="s")

    @functools.partial(
        pl.kernel,
        out_type=jax.ShapeDtypeStruct((NC, ACC_ROWS, D), jnp.float32),
        mesh=mesh,
        scratch_types=[
            pltpu.VMEM((cpp, B), jnp.int32),
            pltpu.VMEM((cpp, B), jnp.int32),
            pltpu.VMEM((B, D), jnp.float32),
            pltpu.VMEM((B, D), jnp.float32),
            pltpu.VMEM_SHARED((ACC_ROWS, D), jnp.float32),
            pltpu.SemaphoreType.DMA,
            pltpu.SemaphoreType.DMA,
            pltpu.SemaphoreType.DMA,
            pltpu.SemaphoreType.DMA,
        ],
    )
    def k(x_hbm, src_hbm, dst_hbm, zeros_hbm, out_hbm, src_v, dst_v, rows0,
          rows1, acc, sg0, sg1, ss0, ss1):
        c = lax.axis_index("c")
        s = lax.axis_index("s")
        w = s * NC + c

        with jax.named_scope("zinit"):
            pltpu.sync_copy(
                zeros_hbm, acc.at[pl.ds(s * ROWS_PER_TILE, ROWS_PER_TILE)])
            plsc.subcore_barrier()

        def wg(buf, sem, j):
            pltpu.make_async_copy(x_hbm.at[src_v.at[j]], buf, sem).wait()

        def ws(buf, sem, j):
            pltpu.make_async_copy(buf, acc.at[dst_v.at[j]], sem).wait()

        with jax.named_scope("mainloop"):
            def do_pass(p, carry):
                pltpu.sync_copy(src_hbm.at[w, p], src_v)
                pltpu.sync_copy(dst_hbm.at[w, p], dst_v)

                pltpu.async_copy(x_hbm.at[src_v.at[0]], rows0, sg0)
                wg(rows0, sg0, 0)
                pltpu.async_copy(rows0, acc.at[dst_v.at[0]], ss0, add=True)
                pltpu.async_copy(x_hbm.at[src_v.at[1]], rows1, sg1)

                def body(i, cr):
                    j1 = 2 * i + 1
                    j2 = j1 + 1
                    wg(rows1, sg1, j1)
                    pltpu.async_copy(rows1, acc.at[dst_v.at[j1]], ss1, add=True)
                    ws(rows0, ss0, j1 - 1)
                    pltpu.async_copy(x_hbm.at[src_v.at[j2]], rows0, sg0)
                    wg(rows0, sg0, j2)
                    pltpu.async_copy(rows0, acc.at[dst_v.at[j2]], ss0, add=True)
                    ws(rows1, ss1, j1)
                    pltpu.async_copy(x_hbm.at[src_v.at[j2 + 1]], rows1, sg1)
                    return cr

                lax.fori_loop(0, cpp // 2 - 1, body, 0)
                jt = cpp - 1
                wg(rows1, sg1, jt)
                pltpu.async_copy(rows1, acc.at[dst_v.at[jt]], ss1, add=True)
                ws(rows0, ss0, jt - 1)
                ws(rows1, ss1, jt)
                return carry

            lax.fori_loop(0, npass, do_pass, 0)
            plsc.subcore_barrier()

        with jax.named_scope("export"):
            pltpu.sync_copy(
                acc.at[pl.ds(s * ROWS_PER_TILE, ROWS_PER_TILE)],
                out_hbm.at[c, pl.ds(s * ROWS_PER_TILE, ROWS_PER_TILE)],
            )

    return k(x, src3, dst3, zeros)


def _combine(partials):
    blk = 1000

    def body(p_ref, o_ref):
        o_ref[...] = p_ref[0] + p_ref[1]

    return pl.pallas_call(
        body,
        grid=(N_NODES // blk,),
        in_specs=[pl.BlockSpec((NC, blk, D), lambda i: (0, i, 0))],
        out_specs=pl.BlockSpec((blk, D), lambda i: (i, 0)),
        out_shape=jax.ShapeDtypeStruct((N_NODES, D), jnp.float32),
    )(partials)


def kernel(x, edge_index):
    src = edge_index[0].astype(jnp.int32)
    dst = edge_index[1].astype(jnp.int32)
    e = src.shape[0]
    g = NW * NPASS * CPP * B
    assert e <= g, (e, g)
    pad = g - e
    if pad:
        it = jnp.arange(pad, dtype=jnp.int32)
        src = jnp.concatenate([src, it % N_NODES])
        dst = jnp.concatenate([dst, N_NODES + it % (ACC_ROWS - N_NODES)])
    src3 = src.reshape(NW, NPASS, CPP, B)
    dst3 = dst.reshape(NW, NPASS, CPP, B)
    zeros = jnp.zeros((ROWS_PER_TILE, D), jnp.float32)
    partials = _sc_partials(x, src3, dst3, zeros)
    return _combine(partials)

# --- scband reference (transcript-rebuilt; emitter-appended) ---
"""Pipeline reference for scband-simple-aggregator-62809601736720 (READ-ONLY COPY).

The authoritative reference and input builder live on the scoring server;
editing this copy changes nothing except your own understanding.
"""

import jax, jax.numpy as jnp
import numpy as np

N_NODES = 10000
N_EDGES = 320000
D_FEAT = 128

def setup_inputs(seed: int = 0) -> dict:
    key = jax.random.key(seed)
    k1, k2 = jax.random.split(key)
    x = jax.random.normal(k1, (N_NODES, D_FEAT), dtype=jnp.float32)
    edge_index = jax.random.randint(k2, (2, N_EDGES), 0, N_NODES, dtype=jnp.int64)
    return {"x": x, "edge_index": edge_index}

def reference(x, edge_index):
    # DGL update_all(fn.copy_u('h','m'), fn.sum('m','feat')):
    # gather source node features along each edge, sum-reduce at destination nodes.
    src = edge_index[0]
    dst = edge_index[1]
    msgs = jnp.take(x, src, axis=0)            # copy_u: gather [E, d]
    out = jax.ops.segment_sum(msgs, dst, num_segments=N_NODES)  # sum at dst
    return out

if __name__ == "__main__":
    import jax
    _d = setup_inputs()
    print(jax.jit(kernel)(*tuple(_d.values())))

</pallas_src>

<mosaic_0001>
#map = affine_map<(d0, d1) -> (0, 0)>
#map1 = affine_map<(d0, d1) -> (0, 0, 0, 0)>
#map2 = affine_map<(d0, d1) -> (0, 0, 0)>
module attributes {stable_mosaic.version = 14 : i64} {
  func.func @k(%arg0: i32, %arg1: i32, %arg2: memref<10000x128xf32, #tpu.memory_space<hbm>>, %arg3: memref<32x2x40x128xi32, #tpu.memory_space<hbm>>, %arg4: memref<32x2x40x128xi32, #tpu.memory_space<hbm>>, %arg5: memref<640x128xf32, #tpu.memory_space<hbm>>, %arg6: memref<2x10240x128xf32, #tpu.memory_space<hbm>>, %arg7: memref<40x128xi32, #tpu.memory_space<vmem>>, %arg8: memref<40x128xi32, #tpu.memory_space<vmem>>, %arg9: memref<128x128xf32, #tpu.memory_space<vmem>>, %arg10: memref<128x128xf32, #tpu.memory_space<vmem>>, %arg11: memref<10240x128xf32, #tpu.memory_space<vmem_shared>>, %arg12: memref<!tpu.dma_semaphore, #tpu.memory_space<semaphore_mem>>, %arg13: memref<!tpu.dma_semaphore, #tpu.memory_space<semaphore_mem>>, %arg14: memref<!tpu.dma_semaphore, #tpu.memory_space<semaphore_mem>>, %arg15: memref<!tpu.dma_semaphore, #tpu.memory_space<semaphore_mem>>) attributes {dimension_semantics = [#tpu.dimension_semantics<core_parallel>, #tpu.dimension_semantics<subcore_parallel>], iteration_bounds = array<i64: 2, 16>, scalar_prefetch = 0 : i64, scratch_operands = 9 : i64, tpu.core_type = #tpu.core_type<sc_vector_subcore>, window_params = [{transform_indices = #map}, {transform_indices = #map1}, {transform_indices = #map1}, {transform_indices = #map}, {transform_indices = #map2}]} {
    %mul3A = arith.constant 2 : i32
    %mul3A_0 = arith.muli %arg1, %mul3A : i32
    %add3A = arith.addi %mul3A_0, %arg0 : i32
    "tpu.trace_start"() <{level = 10 : i32, message = "zinit"}> : () -> ()
    %mul3A_1 = arith.constant 640 : i32
    %mul3A_2 = arith.muli %arg1, %mul3A_1 : i32
    "tpu.region"() ({
      %run_scoped3A = tpu.sem_alloc : memref<!tpu.dma_semaphore, #tpu.memory_space<semaphore_mem>>
      %dma_start3A = arith.constant 0 : i32
      %dma_start3A_13 = tpu.memref_slice %arg11[%mul3A_2, %dma_start3A] : memref<10240x128xf32, #tpu.memory_space<vmem_shared>> -> memref<640x128xf32, #tpu.memory_space<vmem_shared>>
      tpu.enqueue_dma source(%arg5 : memref<640x128xf32, #tpu.memory_space<hbm>>) target(%dma_start3A_13 : memref<640x128xf32, #tpu.memory_space<vmem_shared>>) target_semaphore(%run_scoped3A : memref<!tpu.dma_semaphore, #tpu.memory_space<semaphore_mem>>)
      %dma_wait3A = arith.constant 0 : i32
      %dma_wait3A_14 = tpu.memref_slice %arg11[%mul3A_2, %dma_wait3A] : memref<10240x128xf32, #tpu.memory_space<vmem_shared>> -> memref<640x128xf32, #tpu.memory_space<vmem_shared>>
      tpu.wait_dma2 semaphore(%run_scoped3A : memref<!tpu.dma_semaphore, #tpu.memory_space<semaphore_mem>>) src(%arg5 : memref<640x128xf32, #tpu.memory_space<hbm>>) dst(%dma_wait3A_14 : memref<640x128xf32, #tpu.memory_space<vmem_shared>>)
      tpu.yield
    }) : () -> ()
    %barrier3A = arith.constant 0 : index
    tpu.barrier barrier_id(%barrier3A)
    "tpu.trace_stop"() : () -> ()
    "tpu.trace_start"() <{level = 10 : i32, message = "mainloop"}> : () -> ()
    %scan3A = arith.constant 0 : i32
    %scan3A_3 = arith.constant 0 : i32
    %scan3A_4 = arith.constant 2 : i32
    %scan3A_5 = arith.addi %scan3A_3, %scan3A_4 : i32
    %scan3A_6 = arith.constant 1 : i32
    scf.for %scan3A_13 = %scan3A_3 to %scan3A_5 step %scan3A_6  : i32 {
      "tpu.region"() ({
        %run_scoped3A = tpu.sem_alloc : memref<!tpu.dma_semaphore, #tpu.memory_space<semaphore_mem>>
        %dma_start3A_74 = arith.constant 0 : i32
        %dma_start3A_75 = arith.constant 0 : i32
        %dma_start3A_76 = tpu.memref_slice %arg3[%add3A, %scan3A_13, %dma_start3A_74, %dma_start3A_75] : memref<32x2x40x128xi32, #tpu.memory_space<hbm>> -> memref<1x1x40x128xi32, #tpu.memory_space<hbm>>
        %dma_start3A_77 = tpu.memref_squeeze %dma_start3A_76 : memref<1x1x40x128xi32, #tpu.memory_space<hbm>> -> memref<40x128xi32, #tpu.memory_space<hbm>>
        %dma_start3A_78 = arith.constant 0 : i32
        %dma_start3A_79 = arith.constant 0 : i32
        %dma_start3A_80 = tpu.memref_slice %arg3[%add3A, %scan3A_13, %dma_start3A_78, %dma_start3A_79] : memref<32x2x40x128xi32, #tpu.memory_space<hbm>> -> memref<1x1x40x128xi32, #tpu.memory_space<hbm>>
        %dma_start3A_81 = tpu.memref_squeeze %dma_start3A_80 : memref<1x1x40x128xi32, #tpu.memory_space<hbm>> -> memref<40x128xi32, #tpu.memory_space<hbm>>
        tpu.enqueue_dma source(%dma_start3A_81 : memref<40x128xi32, #tpu.memory_space<hbm>>) target(%arg7 : memref<40x128xi32, #tpu.memory_space<vmem>>) target_semaphore(%run_scoped3A : memref<!tpu.dma_semaphore, #tpu.memory_space<semaphore_mem>>)
        %dma_wait3A_82 = arith.constant 0 : i32
        %dma_wait3A_83 = arith.constant 0 : i32
        %dma_wait3A_84 = tpu.memref_slice %arg3[%add3A, %scan3A_13, %dma_wait3A_82, %dma_wait3A_83] : memref<32x2x40x128xi32, #tpu.memory_space<hbm>> -> memref<1x1x40x128xi32, #tpu.memory_space<hbm>>
        %dma_wait3A_85 = tpu.memref_squeeze %dma_wait3A_84 : memref<1x1x40x128xi32, #tpu.memory_space<hbm>> -> memref<40x128xi32, #tpu.memory_space<hbm>>
        %dma_wait3A_86 = arith.constant 0 : i32
        %dma_wait3A_87 = arith.constant 0 : i32
        %dma_wait3A_88 = tpu.memref_slice %arg3[%add3A, %scan3A_13, %dma_wait3A_86, %dma_wait3A_87] : memref<32x2x40x128xi32, #tpu.memory_space<hbm>> -> memref<1x1x40x128xi32, #tpu.memory_space<hbm>>
        %dma_wait3A_89 = tpu.memref_squeeze %dma_wait3A_88 : memref<1x1x40x128xi32, #tpu.memory_space<hbm>> -> memref<40x128xi32, #tpu.memory_space<hbm>>
        tpu.wait_dma2 semaphore(%run_scoped3A : memref<!tpu.dma_semaphore, #tpu.memory_space<semaphore_mem>>) src(%dma_wait3A_89 : memref<40x128xi32, #tpu.memory_space<hbm>>) dst(%arg7 : memref<40x128xi32, #tpu.memory_space<vmem>>)
        tpu.yield
      }) : () -> ()
      "tpu.region"() ({
        %run_scoped3A = tpu.sem_alloc : memref<!tpu.dma_semaphore, #tpu.memory_space<semaphore_mem>>
        %dma_start3A_74 = arith.constant 0 : i32
        %dma_start3A_75 = arith.constant 0 : i32
        %dma_start3A_76 = tpu.memref_slice %arg4[%add3A, %scan3A_13, %dma_start3A_74, %dma_start3A_75] : memref<32x2x40x128xi32, #tpu.memory_space<hbm>> -> memref<1x1x40x128xi32, #tpu.memory_space<hbm>>
        %dma_start3A_77 = tpu.memref_squeeze %dma_start3A_76 : memref<1x1x40x128xi32, #tpu.memory_space<hbm>> -> memref<40x128xi32, #tpu.memory_space<hbm>>
        %dma_start3A_78 = arith.constant 0 : i32
        %dma_start3A_79 = arith.constant 0 : i32
        %dma_start3A_80 = tpu.memref_slice %arg4[%add3A, %scan3A_13, %dma_start3A_78, %dma_start3A_79] : memref<32x2x40x128xi32, #tpu.memory_space<hbm>> -> memref<1x1x40x128xi32, #tpu.memory_space<hbm>>
        %dma_start3A_81 = tpu.memref_squeeze %dma_start3A_80 : memref<1x1x40x128xi32, #tpu.memory_space<hbm>> -> memref<40x128xi32, #tpu.memory_space<hbm>>
        tpu.enqueue_dma source(%dma_start3A_81 : memref<40x128xi32, #tpu.memory_space<hbm>>) target(%arg8 : memref<40x128xi32, #tpu.memory_space<vmem>>) target_semaphore(%run_scoped3A : memref<!tpu.dma_semaphore, #tpu.memory_space<semaphore_mem>>)
        %dma_wait3A_82 = arith.constant 0 : i32
        %dma_wait3A_83 = arith.constant 0 : i32
        %dma_wait3A_84 = tpu.memref_slice %arg4[%add3A, %scan3A_13, %dma_wait3A_82, %dma_wait3A_83] : memref<32x2x40x128xi32, #tpu.memory_space<hbm>> -> memref<1x1x40x128xi32, #tpu.memory_space<hbm>>
        %dma_wait3A_85 = tpu.memref_squeeze %dma_wait3A_84 : memref<1x1x40x128xi32, #tpu.memory_space<hbm>> -> memref<40x128xi32, #tpu.memory_space<hbm>>
        %dma_wait3A_86 = arith.constant 0 : i32
        %dma_wait3A_87 = arith.constant 0 : i32
        %dma_wait3A_88 = tpu.memref_slice %arg4[%add3A, %scan3A_13, %dma_wait3A_86, %dma_wait3A_87] : memref<32x2x40x128xi32, #tpu.memory_space<hbm>> -> memref<1x1x40x128xi32, #tpu.memory_space<hbm>>
        %dma_wait3A_89 = tpu.memref_squeeze %dma_wait3A_88 : memref<1x1x40x128xi32, #tpu.memory_space<hbm>> -> memref<40x128xi32, #tpu.memory_space<hbm>>
        tpu.wait_dma2 semaphore(%run_scoped3A : memref<!tpu.dma_semaphore, #tpu.memory_space<semaphore_mem>>) src(%dma_wait3A_89 : memref<40x128xi32, #tpu.memory_space<hbm>>) dst(%arg8 : memref<40x128xi32, #tpu.memory_space<vmem>>)
        tpu.yield
      }) : () -> ()
      %dma_start3A = arith.constant 0 : i32
      %dma_start3A_14 = arith.constant 0 : i32
      %dma_start3A_15 = tpu.memref_slice %arg7[%dma_start3A, %dma_start3A_14] : memref<40x128xi32, #tpu.memory_space<vmem>> -> memref<1x128xi32, #tpu.memory_space<vmem>>
      %dma_start3A_16 = tpu.memref_squeeze %dma_start3A_15 : memref<1x128xi32, #tpu.memory_space<vmem>> -> memref<128xi32, #tpu.memory_space<vmem>>
      %dma_start3A_17 = arith.constant 0 : i32
      %dma_start3A_18 = arith.constant 0 : i32
      %dma_start3A_19 = tpu.memref_slice %arg2[%dma_start3A_17, %dma_start3A_18] : memref<10000x128xf32, #tpu.memory_space<hbm>> -> memref<10000x128xf32, #tpu.memory_space<hbm>>
      tpu.enqueue_indirect_dma source(%dma_start3A_19 : memref<10000x128xf32, #tpu.memory_space<hbm>>) target(%arg9 : memref<128x128xf32, #tpu.memory_space<vmem>>) offsets(%dma_start3A_16 : memref<128xi32, #tpu.memory_space<vmem>>) semaphore(%arg12 : memref<!tpu.dma_semaphore, #tpu.memory_space<semaphore_mem>>)
      %dma_wait3A = arith.constant 0 : i32
      %dma_wait3A_20 = arith.constant 0 : i32
      %dma_wait3A_21 = tpu.memref_slice %arg7[%dma_wait3A, %dma_wait3A_20] : memref<40x128xi32, #tpu.memory_space<vmem>> -> memref<1x128xi32, #tpu.memory_space<vmem>>
      %dma_wait3A_22 = tpu.memref_squeeze %dma_wait3A_21 : memref<1x128xi32, #tpu.memory_space<vmem>> -> memref<128xi32, #tpu.memory_space<vmem>>
      %dma_wait3A_23 = arith.constant 0 : i32
      %dma_wait3A_24 = arith.constant 0 : i32
      %dma_wait3A_25 = tpu.memref_slice %arg2[%dma_wait3A_23, %dma_wait3A_24] : memref<10000x128xf32, #tpu.memory_space<hbm>> -> memref<10000x128xf32, #tpu.memory_space<hbm>>
      tpu.wait_indirect_dma semaphore(%arg12 : memref<!tpu.dma_semaphore, #tpu.memory_space<semaphore_mem>>) src(%dma_wait3A_25 : memref<10000x128xf32, #tpu.memory_space<hbm>>) dst(%arg9 : memref<128x128xf32, #tpu.memory_space<vmem>>)
      %dma_start3A_26 = arith.constant 0 : i32
      %dma_start3A_27 = arith.constant 0 : i32
      %dma_start3A_28 = tpu.memref_slice %arg8[%dma_start3A_26, %dma_start3A_27] : memref<40x128xi32, #tpu.memory_space<vmem>> -> memref<1x128xi32, #tpu.memory_space<vmem>>
      %dma_start3A_29 = tpu.memref_squeeze %dma_start3A_28 : memref<1x128xi32, #tpu.memory_space<vmem>> -> memref<128xi32, #tpu.memory_space<vmem>>
      %dma_start3A_30 = arith.constant 0 : i32
      %dma_start3A_31 = arith.constant 0 : i32
      %dma_start3A_32 = tpu.memref_slice %arg11[%dma_start3A_30, %dma_start3A_31] : memref<10240x128xf32, #tpu.memory_space<vmem_shared>> -> memref<10240x128xf32, #tpu.memory_space<vmem_shared>>
      tpu.enqueue_indirect_dma source(%arg9 : memref<128x128xf32, #tpu.memory_space<vmem>>) target(%dma_start3A_32 : memref<10240x128xf32, #tpu.memory_space<vmem_shared>>) offsets(%dma_start3A_29 : memref<128xi32, #tpu.memory_space<vmem>>) semaphore(%arg14 : memref<!tpu.dma_semaphore, #tpu.memory_space<semaphore_mem>>) {add = true}
      %dma_start3A_33 = arith.constant 1 : i32
      %dma_start3A_34 = arith.constant 0 : i32
      %dma_start3A_35 = tpu.memref_slice %arg7[%dma_start3A_33, %dma_start3A_34] : memref<40x128xi32, #tpu.memory_space<vmem>> -> memref<1x128xi32, #tpu.memory_space<vmem>>
      %dma_start3A_36 = tpu.memref_squeeze %dma_start3A_35 : memref<1x128xi32, #tpu.memory_space<vmem>> -> memref<128xi32, #tpu.memory_space<vmem>>
      %dma_start3A_37 = arith.constant 0 : i32
      %dma_start3A_38 = arith.constant 0 : i32
      %dma_start3A_39 = tpu.memref_slice %arg2[%dma_start3A_37, %dma_start3A_38] : memref<10000x128xf32, #tpu.memory_space<hbm>> -> memref<10000x128xf32, #tpu.memory_space<hbm>>
      tpu.enqueue_indirect_dma source(%dma_start3A_39 : memref<10000x128xf32, #tpu.memory_space<hbm>>) target(%arg10 : memref<128x128xf32, #tpu.memory_space<vmem>>) offsets(%dma_start3A_36 : memref<128xi32, #tpu.memory_space<vmem>>) semaphore(%arg13 : memref<!tpu.dma_semaphore, #tpu.memory_space<semaphore_mem>>)
      %scan3A_40 = arith.constant 0 : i32
      %scan3A_41 = arith.constant 0 : i32
      %scan3A_42 = arith.constant 19 : i32
      %scan3A_43 = arith.addi %scan3A_41, %scan3A_42 : i32
      %scan3A_44 = arith.constant 1 : i32
      scf.for %scan3A_74 = %scan3A_41 to %scan3A_43 step %scan3A_44  : i32 {
        %mul3A_75 = arith.constant 2 : i32
        %mul3A_76 = arith.muli %mul3A_75, %scan3A_74 : i32
        %add3A_77 = arith.constant 1 : i32
        %add3A_78 = arith.addi %mul3A_76, %add3A_77 : i32
        %add3A_79 = arith.constant 1 : i32
        %add3A_80 = arith.addi %add3A_78, %add3A_79 : i32
        %dma_wait3A_81 = arith.constant 0 : i32
        %dma_wait3A_82 = tpu.memref_slice %arg7[%add3A_78, %dma_wait3A_81] : memref<40x128xi32, #tpu.memory_space<vmem>> -> memref<1x128xi32, #tpu.memory_space<vmem>>
        %dma_wait3A_83 = tpu.memref_squeeze %dma_wait3A_82 : memref<1x128xi32, #tpu.memory_space<vmem>> -> memref<128xi32, #tpu.memory_space<vmem>>
        %dma_wait3A_84 = arith.constant 0 : i32
        %dma_wait3A_85 = arith.constant 0 : i32
        %dma_wait3A_86 = tpu.memref_slice %arg2[%dma_wait3A_84, %dma_wait3A_85] : memref<10000x128xf32, #tpu.memory_space<hbm>> -> memref<10000x128xf32, #tpu.memory_space<hbm>>
        tpu.wait_indirect_dma semaphore(%arg13 : memref<!tpu.dma_semaphore, #tpu.memory_space<semaphore_mem>>) src(%dma_wait3A_86 : memref<10000x128xf32, #tpu.memory_space<hbm>>) dst(%arg10 : memref<128x128xf32, #tpu.memory_space<vmem>>)
        %dma_start3A_87 = arith.constant 0 : i32
        %dma_start3A_88 = tpu.memref_slice %arg8[%add3A_78, %dma_start3A_87] : memref<40x128xi32, #tpu.memory_space<vmem>> -> memref<1x128xi32, #tpu.memory_space<vmem>>
        %dma_start3A_89 = tpu.memref_squeeze %dma_start3A_88 : memref<1x128xi32, #tpu.memory_space<vmem>> -> memref<128xi32, #tpu.memory_space<vmem>>
        %dma_start3A_90 = arith.constant 0 : i32
        %dma_start3A_91 = arith.constant 0 : i32
        %dma_start3A_92 = tpu.memref_slice %arg11[%dma_start3A_90, %dma_start3A_91] : memref<10240x128xf32, #tpu.memory_space<vmem_shared>> -> memref<10240x128xf32, #tpu.memory_space<vmem_shared>>
        tpu.enqueue_indirect_dma source(%arg10 : memref<128x128xf32, #tpu.memory_space<vmem>>) target(%dma_start3A_92 : memref<10240x128xf32, #tpu.memory_space<vmem_shared>>) offsets(%dma_start3A_89 : memref<128xi32, #tpu.memory_space<vmem>>) semaphore(%arg15 : memref<!tpu.dma_semaphore, #tpu.memory_space<semaphore_mem>>) {add = true}
        %sub3A = arith.constant 1 : i32
        %sub3A_93 = arith.subi %add3A_78, %sub3A : i32
        %dma_wait3A_94 = arith.constant 0 : i32
        %dma_wait3A_95 = tpu.memref_slice %arg8[%sub3A_93, %dma_wait3A_94] : memref<40x128xi32, #tpu.memory_space<vmem>> -> memref<1x128xi32, #tpu.memory_space<vmem>>
        %dma_wait3A_96 = tpu.memref_squeeze %dma_wait3A_95 : memref<1x128xi32, #tpu.memory_space<vmem>> -> memref<128xi32, #tpu.memory_space<vmem>>
        %dma_wait3A_97 = arith.constant 0 : i32
        %dma_wait3A_98 = arith.constant 0 : i32
        %dma_wait3A_99 = tpu.memref_slice %arg11[%dma_wait3A_97, %dma_wait3A_98] : memref<10240x128xf32, #tpu.memory_space<vmem_shared>> -> memref<10240x128xf32, #tpu.memory_space<vmem_shared>>
        tpu.wait_indirect_dma semaphore(%arg14 : memref<!tpu.dma_semaphore, #tpu.memory_space<semaphore_mem>>) src(%arg9 : memref<128x128xf32, #tpu.memory_space<vmem>>) dst(%dma_wait3A_99 : memref<10240x128xf32, #tpu.memory_space<vmem_shared>>)
        %dma_start3A_100 = arith.constant 0 : i32
        %dma_start3A_101 = tpu.memref_slice %arg7[%add3A_80, %dma_start3A_100] : memref<40x128xi32, #tpu.memory_space<vmem>> -> memref<1x128xi32, #tpu.memory_space<vmem>>
        %dma_start3A_102 = tpu.memref_squeeze %dma_start3A_101 : memref<1x128xi32, #tpu.memory_space<vmem>> -> memref<128xi32, #tpu.memory_space<vmem>>
        %dma_start3A_103 = arith.constant 0 : i32
        %dma_start3A_104 = arith.constant 0 : i32
        %dma_start3A_105 = tpu.memref_slice %arg2[%dma_start3A_103, %dma_start3A_104] : memref<10000x128xf32, #tpu.memory_space<hbm>> -> memref<10000x128xf32, #tpu.memory_space<hbm>>
        tpu.enqueue_indirect_dma source(%dma_start3A_105 : memref<10000x128xf32, #tpu.memory_space<hbm>>) target(%arg9 : memref<128x128xf32, #tpu.memory_space<vmem>>) offsets(%dma_start3A_102 : memref<128xi32, #tpu.memory_space<vmem>>) semaphore(%arg12 : memref<!tpu.dma_semaphore, #tpu.memory_space<semaphore_mem>>)
        %dma_wait3A_106 = arith.constant 0 : i32
        %dma_wait3A_107 = tpu.memref_slice %arg7[%add3A_80, %dma_wait3A_106] : memref<40x128xi32, #tpu.memory_space<vmem>> -> memref<1x128xi32, #tpu.memory_space<vmem>>
        %dma_wait3A_108 = tpu.memref_squeeze %dma_wait3A_107 : memref<1x128xi32, #tpu.memory_space<vmem>> -> memref<128xi32, #tpu.memory_space<vmem>>
        %dma_wait3A_109 = arith.constant 0 : i32
        %dma_wait3A_110 = arith.constant 0 : i32
        %dma_wait3A_111 = tpu.memref_slice %arg2[%dma_wait3A_109, %dma_wait3A_110] : memref<10000x128xf32, #tpu.memory_space<hbm>> -> memref<10000x128xf32, #tpu.memory_space<hbm>>
        tpu.wait_indirect_dma semaphore(%arg12 : memref<!tpu.dma_semaphore, #tpu.memory_space<semaphore_mem>>) src(%dma_wait3A_111 : memref<10000x128xf32, #tpu.memory_space<hbm>>) dst(%arg9 : memref<128x128xf32, #tpu.memory_space<vmem>>)
        %dma_start3A_112 = arith.constant 0 : i32
        %dma_start3A_113 = tpu.memref_slice %arg8[%add3A_80, %dma_start3A_112] : memref<40x128xi32, #tpu.memory_space<vmem>> -> memref<1x128xi32, #tpu.memory_space<vmem>>
        %dma_start3A_114 = tpu.memref_squeeze %dma_start3A_113 : memref<1x128xi32, #tpu.memory_space<vmem>> -> memref<128xi32, #tpu.memory_space<vmem>>
        %dma_start3A_115 = arith.constant 0 : i32
        %dma_start3A_116 = arith.constant 0 : i32
        %dma_start3A_117 = tpu.memref_slice %arg11[%dma_start3A_115, %dma_start3A_116] : memref<10240x128xf32, #tpu.memory_space<vmem_shared>> -> memref<10240x128xf32, #tpu.memory_space<vmem_shared>>
        tpu.enqueue_indirect_dma source(%arg9 : memref<128x128xf32, #tpu.memory_space<vmem>>) target(%dma_start3A_117 : memref<10240x128xf32, #tpu.memory_space<vmem_shared>>) offsets(%dma_start3A_114 : memref<128xi32, #tpu.memory_space<vmem>>) semaphore(%arg14 : memref<!tpu.dma_semaphore, #tpu.memory_space<semaphore_mem>>) {add = true}
        %dma_wait3A_118 = arith.constant 0 : i32
        %dma_wait3A_119 = tpu.memref_slice %arg8[%add3A_78, %dma_wait3A_118] : memref<40x128xi32, #tpu.memory_space<vmem>> -> memref<1x128xi32, #tpu.memory_space<vmem>>
        %dma_wait3A_120 = tpu.memref_squeeze %dma_wait3A_119 : memref<1x128xi32, #tpu.memory_space<vmem>> -> memref<128xi32, #tpu.memory_space<vmem>>
        %dma_wait3A_121 = arith.constant 0 : i32
        %dma_wait3A_122 = arith.constant 0 : i32
        %dma_wait3A_123 = tpu.memref_slice %arg11[%dma_wait3A_121, %dma_wait3A_122] : memref<10240x128xf32, #tpu.memory_space<vmem_shared>> -> memref<10240x128xf32, #tpu.memory_space<vmem_shared>>
        tpu.wait_indirect_dma semaphore(%arg15 : memref<!tpu.dma_semaphore, #tpu.memory_space<semaphore_mem>>) src(%arg10 : memref<128x128xf32, #tpu.memory_space<vmem>>) dst(%dma_wait3A_123 : memref<10240x128xf32, #tpu.memory_space<vmem_shared>>)
        %add3A_124 = arith.constant 1 : i32
        %add3A_125 = arith.addi %add3A_80, %add3A_124 : i32
        %dma_start3A_126 = arith.constant 0 : i32
        %dma_start3A_127 = tpu.memref_slice %arg7[%add3A_125, %dma_start3A_126] : memref<40x128xi32, #tpu.memory_space<vmem>> -> memref<1x128xi32, #tpu.memory_space<vmem>>
        %dma_start3A_128 = tpu.memref_squeeze %dma_start3A_127 : memref<1x128xi32, #tpu.memory_space<vmem>> -> memref<128xi32, #tpu.memory_space<vmem>>
        %dma_start3A_129 = arith.constant 0 : i32
        %dma_start3A_130 = arith.constant 0 : i32
        %dma_start3A_131 = tpu.memref_slice %arg2[%dma_start3A_129, %dma_start3A_130] : memref<10000x128xf32, #tpu.memory_space<hbm>> -> memref<10000x128xf32, #tpu.memory_space<hbm>>
        tpu.enqueue_indirect_dma source(%dma_start3A_131 : memref<10000x128xf32, #tpu.memory_space<hbm>>) target(%arg10 : memref<128x128xf32, #tpu.memory_space<vmem>>) offsets(%dma_start3A_128 : memref<128xi32, #tpu.memory_space<vmem>>) semaphore(%arg13 : memref<!tpu.dma_semaphore, #tpu.memory_space<semaphore_mem>>)
      }
      %scan3A_45 = arith.constant 19 : i32
      %dma_wait3A_46 = arith.constant 39 : i32
      %dma_wait3A_47 = arith.constant 0 : i32
      %dma_wait3A_48 = tpu.memref_slice %arg7[%dma_wait3A_46, %dma_wait3A_47] : memref<40x128xi32, #tpu.memory_space<vmem>> -> memref<1x128xi32, #tpu.memory_space<vmem>>
      %dma_wait3A_49 = tpu.memref_squeeze %dma_wait3A_48 : memref<1x128xi32, #tpu.memory_space<vmem>> -> memref<128xi32, #tpu.memory_space<vmem>>
      %dma_wait3A_50 = arith.constant 0 : i32
      %dma_wait3A_51 = arith.constant 0 : i32
      %dma_wait3A_52 = tpu.memref_slice %arg2[%dma_wait3A_50, %dma_wait3A_51] : memref<10000x128xf32, #tpu.memory_space<hbm>> -> memref<10000x128xf32, #tpu.memory_space<hbm>>
      tpu.wait_indirect_dma semaphore(%arg13 : memref<!tpu.dma_semaphore, #tpu.memory_space<semaphore_mem>>) src(%dma_wait3A_52 : memref<10000x128xf32, #tpu.memory_space<hbm>>) dst(%arg10 : memref<128x128xf32, #tpu.memory_space<vmem>>)
      %dma_start3A_53 = arith.constant 39 : i32
      %dma_start3A_54 = arith.constant 0 : i32
      %dma_start3A_55 = tpu.memref_slice %arg8[%dma_start3A_53, %dma_start3A_54] : memref<40x128xi32, #tpu.memory_space<vmem>> -> memref<1x128xi32, #tpu.memory_space<vmem>>
      %dma_start3A_56 = tpu.memref_squeeze %dma_start3A_55 : memref<1x128xi32, #tpu.memory_space<vmem>> -> memref<128xi32, #tpu.memory_space<vmem>>
      %dma_start3A_57 = arith.constant 0 : i32
      %dma_start3A_58 = arith.constant 0 : i32
      %dma_start3A_59 = tpu.memref_slice %arg11[%dma_start3A_57, %dma_start3A_58] : memref<10240x128xf32, #tpu.memory_space<vmem_shared>> -> memref<10240x128xf32, #tpu.memory_space<vmem_shared>>
      tpu.enqueue_indirect_dma source(%arg10 : memref<128x128xf32, #tpu.memory_space<vmem>>) target(%dma_start3A_59 : memref<10240x128xf32, #tpu.memory_space<vmem_shared>>) offsets(%dma_start3A_56 : memref<128xi32, #tpu.memory_space<vmem>>) semaphore(%arg15 : memref<!tpu.dma_semaphore, #tpu.memory_space<semaphore_mem>>) {add = true}
      %dma_wait3A_60 = arith.constant 38 : i32
      %dma_wait3A_61 = arith.constant 0 : i32
      %dma_wait3A_62 = tpu.memref_slice %arg8[%dma_wait3A_60, %dma_wait3A_61] : memref<40x128xi32, #tpu.memory_space<vmem>> -> memref<1x128xi32, #tpu.memory_space<vmem>>
      %dma_wait3A_63 = tpu.memref_squeeze %dma_wait3A_62 : memref<1x128xi32, #tpu.memory_space<vmem>> -> memref<128xi32, #tpu.memory_space<vmem>>
      %dma_wait3A_64 = arith.constant 0 : i32
      %dma_wait3A_65 = arith.constant 0 : i32
      %dma_wait3A_66 = tpu.memref_slice %arg11[%dma_wait3A_64, %dma_wait3A_65] : memref<10240x128xf32, #tpu.memory_space<vmem_shared>> -> memref<10240x128xf32, #tpu.memory_space<vmem_shared>>
      tpu.wait_indirect_dma semaphore(%arg14 : memref<!tpu.dma_semaphore, #tpu.memory_space<semaphore_mem>>) src(%arg9 : memref<128x128xf32, #tpu.memory_space<vmem>>) dst(%dma_wait3A_66 : memref<10240x128xf32, #tpu.memory_space<vmem_shared>>)
      %dma_wait3A_67 = arith.constant 39 : i32
      %dma_wait3A_68 = arith.constant 0 : i32
      %dma_wait3A_69 = tpu.memref_slice %arg8[%dma_wait3A_67, %dma_wait3A_68] : memref<40x128xi32, #tpu.memory_space<vmem>> -> memref<1x128xi32, #tpu.memory_space<vmem>>
      %dma_wait3A_70 = tpu.memref_squeeze %dma_wait3A_69 : memref<1x128xi32, #tpu.memory_space<vmem>> -> memref<128xi32, #tpu.memory_space<vmem>>
      %dma_wait3A_71 = arith.constant 0 : i32
      %dma_wait3A_72 = arith.constant 0 : i32
      %dma_wait3A_73 = tpu.memref_slice %arg11[%dma_wait3A_71, %dma_wait3A_72] : memref<10240x128xf32, #tpu.memory_space<vmem_shared>> -> memref<10240x128xf32, #tpu.memory_space<vmem_shared>>
      tpu.wait_indirect_dma semaphore(%arg15 : memref<!tpu.dma_semaphore, #tpu.memory_space<semaphore_mem>>) src(%arg10 : memref<128x128xf32, #tpu.memory_space<vmem>>) dst(%dma_wait3A_73 : memref<10240x128xf32, #tpu.memory_space<vmem_shared>>)
    }
    %scan3A_7 = arith.constant 2 : i32
    %barrier3A_8 = arith.constant 0 : index
    tpu.barrier barrier_id(%barrier3A_8)
    "tpu.trace_stop"() : () -> ()
    "tpu.trace_start"() <{level = 10 : i32, message = "export"}> : () -> ()
    %mul3A_9 = arith.constant 640 : i32
    %mul3A_10 = arith.muli %arg1, %mul3A_9 : i32
    %mul3A_11 = arith.constant 640 : i32
    %mul3A_12 = arith.muli %arg1, %mul3A_11 : i32
    "tpu.region"() ({
      %run_scoped3A = tpu.sem_alloc : memref<!tpu.dma_semaphore, #tpu.memory_space<semaphore_mem>>
      %dma_start3A = arith.constant 0 : i32
      %dma_start3A_13 = tpu.memref_slice %arg6[%arg0, %mul3A_12, %dma_start3A] : memref<2x10240x128xf32, #tpu.memory_space<hbm>> -> memref<1x640x128xf32, #tpu.memory_space<hbm>>
      %dma_start3A_14 = tpu.memref_squeeze %dma_start3A_13 : memref<1x640x128xf32, #tpu.memory_space<hbm>> -> memref<640x128xf32, #tpu.memory_space<hbm>>
      %dma_start3A_15 = arith.constant 0 : i32
      %dma_start3A_16 = tpu.memref_slice %arg11[%mul3A_10, %dma_start3A_15] : memref<10240x128xf32, #tpu.memory_space<vmem_shared>> -> memref<640x128xf32, #tpu.memory_space<vmem_shared>>
      tpu.enqueue_dma source(%dma_start3A_16 : memref<640x128xf32, #tpu.memory_space<vmem_shared>>) target(%dma_start3A_14 : memref<640x128xf32, #tpu.memory_space<hbm>>) target_semaphore(%run_scoped3A : memref<!tpu.dma_semaphore, #tpu.memory_space<semaphore_mem>>)
      %dma_wait3A = arith.constant 0 : i32
      %dma_wait3A_17 = tpu.memref_slice %arg6[%arg0, %mul3A_12, %dma_wait3A] : memref<2x10240x128xf32, #tpu.memory_space<hbm>> -> memref<1x640x128xf32, #tpu.memory_space<hbm>>
      %dma_wait3A_18 = tpu.memref_squeeze %dma_wait3A_17 : memref<1x640x128xf32, #tpu.memory_space<hbm>> -> memref<640x128xf32, #tpu.memory_space<hbm>>
      %dma_wait3A_19 = arith.constant 0 : i32
      %dma_wait3A_20 = tpu.memref_slice %arg11[%mul3A_10, %dma_wait3A_19] : memref<10240x128xf32, #tpu.memory_space<vmem_shared>> -> memref<640x128xf32, #tpu.memory_space<vmem_shared>>
      tpu.wait_dma2 semaphore(%run_scoped3A : memref<!tpu.dma_semaphore, #tpu.memory_space<semaphore_mem>>) src(%dma_wait3A_20 : memref<640x128xf32, #tpu.memory_space<vmem_shared>>) dst(%dma_wait3A_18 : memref<640x128xf32, #tpu.memory_space<hbm>>)
      tpu.yield
    }) : () -> ()
    "tpu.trace_stop"() : () -> ()
    return
  }
}

module attributes {stable_mosaic.version = 14 : i64} {
  func.func @body(%arg0: i32, %arg1: memref<2x1000x128xf32, #tpu.memory_space<vmem>>, %arg2: memref<1000x128xf32, #tpu.memory_space<vmem>>) attributes {dimension_semantics = [#tpu.dimension_semantics<arbitrary>], iteration_bounds = array<i64: 10>, scalar_prefetch = 0 : i64, scratch_operands = 0 : i64, tpu.core_type = #tpu.core_type<tc>, window_params = [{transform_indices = @transform_0, window_bounds = array<i64: 2, 1000, 128>}, {transform_indices = @transform_1, window_bounds = array<i64: 1000, 128>}]} {
    %get3A = arith.constant 0 : index
    %get3A_0 = arith.constant 0 : index
    %get3A_1 = arith.constant 0 : index
    %get3A_2 = vector.load %arg1[%get3A, %get3A_0, %get3A_1] : memref<2x1000x128xf32, #tpu.memory_space<vmem>>, vector<1x1000x128xf32>
    %get3A_3 = vector.shape_cast %get3A_2 : vector<1x1000x128xf32> to vector<1000x128xf32>
    %get3A_4 = arith.constant 1 : index
    %get3A_5 = arith.constant 0 : index
    %get3A_6 = arith.constant 0 : index
    %get3A_7 = vector.load %arg1[%get3A_4, %get3A_5, %get3A_6] : memref<2x1000x128xf32, #tpu.memory_space<vmem>>, vector<1x1000x128xf32>
    %get3A_8 = vector.shape_cast %get3A_7 : vector<1x1000x128xf32> to vector<1000x128xf32>
    %add3A = arith.addf %get3A_3, %get3A_8 : vector<1000x128xf32>
    %swap3A = arith.constant 0 : index
    %swap3A_9 = arith.constant 0 : index
    %swap3A_10 = vector.load %arg2[%swap3A, %swap3A_9] : memref<1000x128xf32, #tpu.memory_space<vmem>>, vector<1000x128xf32>
    tpu.vector_store %arg2[%swap3A, %swap3A_9], %add3A {strides = array<i32>} : memref<1000x128xf32, #tpu.memory_space<vmem>>, vector<1000x128xf32>,
    return
  }
  func.func @transform_0(%arg0: i32) -> (i32, i32, i32) {
    %c0_i32 = arith.constant 0 : i32
    %c0_i32_0 = arith.constant 0 : i32
    %c0_i32_1 = arith.constant 0 : i32
    return %c0_i32, %arg0, %c0_i32_0 : i32, i32, i32
  }
  func.func @transform_1(%arg0: i32) -> (i32, i32) {
    %c0_i32 = arith.constant 0 : i32
    %c0_i32_0 = arith.constant 0 : i32
    return %arg0, %c0_i32 : i32, i32
  }
}

</mosaic_0001>

<sc_bundles>
// kernel: kernel.4.cloned.1.call-start
scs
__scs_entry_jumppad:
0x0: {  	(pc) =	sbr.rel $0x88, $3  }
0x1: {  	(tag) =	ssettag $0x0;
	lr =	simm.s32 $0x1  }
0x2: {  	[smem:$0x3F9F] =	sst lr;
	_ =	strace $0xD0000000  }
0x3: {  	_ = 	snop  }
0x4: {  	_ = 	snop  }
0x5: {  	_ = 	snop  }
0x6: {  	_ = 	snop  }
0x7: {  	_ = 	snop  }
__scs_overlays_trampoline_lowered:
0x8: {  	[smem:$0x3FAE] =	sst s0  }
0x9: {  	[smem:$0x3FAF] =	sst s1  }
0xa: {  	[smem:$0x3FB0] =	sst s2  }
0xb: {  	[smem:$0x3FB1] =	sst s3  }
0xc: {  	[smem:$0x3FB2] =	sst s4  }
0xd: {  	[smem:$0x3FB3] =	sst s5  }
0xe: {  	[smem:$0x3FB4] =	sst s6  }
0xf: {  	[smem:$0x3FB5] =	sst s7  }
0x10: {  	[smem:$0x3FB6] =	sst s8  }
0x11: {  	[smem:$0x3FB7] =	sst s9;
	s0 =	simm.s32 @!p0 $0x0  }
0x12: {  	s1 =	sld [smem:$0x3F9D];
	s0 =	simm.s32 @p0 $0x1  }
0x13: {  	[smem:$0x3FB8] =	sst s0;
	s0 =	simm.s32 @!p1 $0x0  }
0x14: {  	s2 =	sld [smem:$0x3F9C];
	s0 =	simm.s32 @p1 $0x1  }
0x15: {  	[smem:$0x3FB9] =	sst s0;
	s0 =	simm.s32 @!p2 $0x0  }
0x16: {  	s3 =	sld [smem:$0x3FDB];
	s0 =	simm.s32 @p2 $0x1  }
0x17: {  	s4 =	simm.s32 $0x1BF5;
	[smem:$0x3FBB] =	sst s0  }
0x18: {  	s0 =	sld [smem:$0x3F9E];
	_ =	swait.ge [sflag:s4], $0x0  }
0x19: {  	s7 =	sld [smem:$0x3F9F]  }
0x1a: {  	s8 =	sadd.s32 $0xFFFFE003, lr  }
0x1b: {  	s9 =	sadd.s32 $0xFFFFFEF7, lr;
	s5 =	simm.s32 $0xFFFFFFFF;
	p2 =	slt.u32 s8, $0xFFFFF086  }
0x1c: {  	p1 =	slt.u32 s9, $0xF7A;
	s5 =	simm.s32 @!p2 $0x0  }
0x1d: {  	s5 =	simm.s32 @p1 $0x1;
	p0 =	seq.s32 s7, s2  }
0x1e: {  	s7 =	smul.u32 @!p0 $0xF7A, s2;
	p2 =	seq.s32 @!p0 s5, $0x0  }
0x1f: {  	s9 =	smul.u32 $0xF7A, s1;
	s8 =	simm.s32 @!p0 $0x1BF5;
	p2 =	por !p2, p0  }
0x20: {  	[sflag:s8] =	ssyncset.s32 @!p0 $0xFFFFF086;
	s6 =	sadd.s32 @!p0 s3, s7;
	s7 =	simm.s32 @!p0 $0x108  }
0x21: {  	s3 =	sadd.s32 s3, s9;
	s6 =	sadd.s32 @!p0 $0x88, s6;
	s7 =	simm.s32 @p2 $0x1082  }
0x22: {  	[simem:s7], [sflag:s8] =	dma.local @!p0 [hbm:s6], $0xF7A  }
0x23: {  	s9 =	sor.u32 $0xD0000000, s2;
	s6 =	simm.s32 $0x108;
	_ =	swait.ge @!p0 [sflag:s8], $0x0  }
0x24: {  	s3 =	sadd.s32 $0x88, s3;
	s6 =	simm.s32 @!p1 $0x1082;
	[sflag:s4] =	ssyncset.s32 $0xFFFFF086  }
0x25: {  	[simem:s6], [sflag:s4] =	dma.local [hbm:s3], $0xF7A  }
0x26: {  	[smem:$0x3F9F] =	sst s1;
	(tag) =	ssettag s2;
	_ =	strace s9  }
0x27: {  	s1 =	sld [smem:$0x3FAF]  }
0x28: {  	s2 =	sld [smem:$0x3FB0]  }
0x29: {  	s4 =	sld [smem:$0x3FB2]  }
0x2a: {  	p0 =	seq.s32 s5, $0x0;
	s5 =	sld [smem:$0x3FB3]  }
0x2b: {  	s6 =	sld [smem:$0x3FB4]  }
0x2c: {  	s7 =	sld [smem:$0x3FB5]  }
0x2d: {  	s3 =	simm.s32 $0x108;
	s8 =	sld [smem:$0x3FB6]  }
0x2e: {  	s3 =	simm.s32 @!p0 $0x1082;
	s9 =	sld [smem:$0x3FB7]  }
0x2f: {  	lr =	sadd.s32 s0, s3;
	s0 =	sld [smem:$0x3FAE]  }
0x30: {  	s3 =	sld [smem:$0x3FB1]  }
0x31: {  	[smem:$0x3FBA] =	sst s10  }
0x32: {  	s10 =	sld [smem:$0x3FB8];
	_ =	sdelay $0x3  }
0x33: {  	p0 =	seq.s32 s10, $0x1;
	s10 =	sld [smem:$0x3FBA];
	_ =	sdelay $0x3  }
0x34: {  	[smem:$0x3FBA] =	sst s10  }
0x35: {  	s10 =	sld [smem:$0x3FB9];
	_ =	sdelay $0x3  }
0x36: {  	p1 =	seq.s32 s10, $0x1;
	s10 =	sld [smem:$0x3FBA];
	_ =	sdelay $0x3  }
0x37: {  	[smem:$0x3FBA] =	sst s10  }
0x38: {  	s10 =	sld [smem:$0x3FBB]  }
0x39: {  	_ = 	snop;
	(pc) =	sbr.ind lr, $3  }
0x3a: {  	_ = 	snop  }
0x3b: {  	_ = 	snop  }
0x3c: {  	p2 =	seq.s32 s10, $0x1;
	s10 =	sld [smem:$0x3FBA]  }
0x3d: {  	_ =	shalt  }
0x3e: {  	_ =	shalt  }
0x3f: {  	_ =	shalt  }
0x40: {  	_ =	shalt  }
0x41: {  	_ =	shalt  }
0x42: {  	_ =	shalt  }
0x43: {  	_ =	shalt  }
0x44: {  	_ =	shalt  }
0x45: {  	_ =	shalt  }
0x46: {  	_ =	shalt  }
0x47: {  	_ =	shalt  }
0x48: {  	_ =	shalt  }
0x49: {  	_ =	shalt  }
0x4a: {  	_ =	shalt  }
0x4b: {  	_ =	shalt  }
0x4c: {  	_ =	shalt  }
0x4d: {  	_ =	shalt  }
0x4e: {  	_ =	shalt  }
0x4f: {  	_ =	shalt  }
0x50: {  	_ =	shalt  }
0x51: {  	_ =	shalt  }
0x52: {  	_ =	shalt  }
0x53: {  	_ =	shalt  }
0x54: {  	_ =	shalt  }
0x55: {  	_ =	shalt  }
0x56: {  	_ =	shalt  }
0x57: {  	_ =	shalt  }
0x58: {  	_ =	shalt  }
0x59: {  	_ =	shalt  }
0x5a: {  	_ =	shalt  }
0x5b: {  	_ =	shalt  }
0x5c: {  	_ =	shalt  }
0x5d: {  	_ =	shalt  }
0x5e: {  	_ =	shalt  }
0x5f: {  	_ =	shalt  }
0x60: {  	_ =	shalt  }
0x61: {  	_ =	shalt  }
0x62: {  	_ =	shalt  }
0x63: {  	_ =	shalt  }
0x64: {  	_ =	shalt  }
0x65: {  	_ =	shalt  }
0x66: {  	_ =	shalt  }
0x67: {  	_ =	shalt  }
0x68: {  	_ =	shalt  }
0x69: {  	_ =	shalt  }
0x6a: {  	_ =	shalt  }
0x6b: {  	_ =	shalt  }
0x6c: {  	_ =	shalt  }
0x6d: {  	_ =	shalt  }
0x6e: {  	_ =	shalt  }
0x6f: {  	_ =	shalt  }
0x70: {  	_ =	shalt  }
0x71: {  	_ =	shalt  }
0x72: {  	_ =	shalt  }
0x73: {  	_ =	shalt  }
0x74: {  	_ =	shalt  }
0x75: {  	_ =	shalt  }
0x76: {  	_ =	shalt  }
0x77: {  	_ =	shalt  }
0x78: {  	_ =	shalt  }
0x79: {  	_ =	shalt  }
0x7a: {  	_ =	shalt  }
0x7b: {  	_ =	shalt  }
0x7c: {  	_ =	shalt  }
0x7d: {  	_ =	shalt  }
0x7e: {  	_ =	shalt  }
0x7f: {  	_ =	shalt  }
0x80: {  	_ =	shalt  }
0x81: {  	_ =	shalt  }
0x82: {  	_ =	shalt  }
0x83: {  	_ =	shalt  }
0x84: {  	_ =	shalt  }
0x85: {  	_ =	shalt  }
0x86: {  	_ =	shalt  }
0x87: {  	_ =	shalt  }
.Lfunc_end0:
.L_simem_size_0:
called_computation_lowered:
.L_overlay_start_0:
0x88: {  	s2 =	sld [smem:$0x3FD9]  }
0x89: {  	s3 =	sld [smem:$0x3FFE];
	_ =	sdelay $0x1  }
0x8a: {  	s1 =	srdreg.scid  }
0x8b: {  	s0 =	sand.u32 $0x1, s1  }
0x8c: {  	s17 =	sshll.u32 s0, $0xA;
	s2 =	sadd.s32 s3, s2  }
0x8d: {  	s2 =	sadd.s32 s2, s17  }
0x8e: {  	[smem:$0x3FC6] =	sst s2  }
0x8f: {  	_ = 	snop  }
0x90: {  	s2 =	sld [smem:$0x3FC9]  }
0x91: {  	s18 =	sld [smem:$0x3FD0];
	(tm) =	ssettm $0x1  }
0x92: {  	s4 =	sld [smem:$0x3FFB];
	_ =	sdelay $0x3  }
0x93: {  	_ =	strace s4  }
0x94: {  	s4 =	sld [smem:$0x3FFC];
	_ =	sdelay $0x3  }
0x95: {  	_ =	strace s4  }
0x96: {  	s4 =	sld [smem:$0x3FFD];
	_ =	sdelay $0x3  }
0x97: {  	_ =	strace s4  }
0x98: {  	_ =	strace $0x8FFFFFFF  }
0x99: {  	s19 =	sld [smem:$0x3FDB];
	_ =	sdelay $0x1  }
0x9a: {  	s5 =	simm.s32 $_scs_section_size  }
0x9b: {  	s6 =	simm.s32 $_size__tile_overlayer_lowered;
	s7 =	simm.s32 $_tile_overlayer_lowered  }
0x9c: {  	s22 =	simm.s32 $0x1BFF;
	s21 =	sshll.u32 s7, $0x1;
	s4 =	sadd.s32 s5, s19  }
0x9d: {  	s8 =	simm.s32 $0x0;
	s20 =	sshll.u32 s6, $0x1;
	s6 =	sadd.s32 s21, s4  }
0x9e: {  	[timem:s8], [sflag:s22] =	dma.local [hbm:s6], s20  }
0x9f: {  	_ =	swait.ge [sflag:s22], s20  }
0xa0: {  	s5 =	ssub.s32 $0x0, s20;
	[sflag:s22] =	ssyncset.done $0x0  }
0xa1: {  	[sflag:s22] =	ssyncadd.s32 s5;
	_ =	sdelay $0x1  }
0xa2: {  	s23 =	simm.s32 $0x1B8B  }
0xa3: {  	_ =	swait.ge [sflag:s23], $0x1  }
0xa4: {  	[sflag:s23] =	ssyncset.done $0x0  }
0xa5: {  	s25 =	simm.s32 $0x1B8E;
	s24 =	sld [smem:$0x3FFE];
	[sflag:s23] =	ssyncadd.s32 $0xFFFFFFFF  }
0xa6: {  	s26 =	simm.s32 $execute0_lowered;
	[smem:$0x3FD2] =	sst s25  }
0xa7: {  	s6 =	sshll.u32 s26, $0x1;
	_ =	strace $0x80000046;
	[dreg:$0x1] =	wrdreg $0xFFFFFFFF  }
0xa8: {  	s28 =	simm.s32 $_size_execute0_lowered;
	s4 =	sadd.s32 s4, s6;
	[dreg:$0x0] =	wrdreg $0x0  }
0xa9: {  	s6 =	sshll.u32 s28, $0x1;
	[dreg:$0x2] =	wrdreg s4  }
0xaa: {  	[dreg:$0x3] =	wrdreg s6  }
0xab: {  	[dreg:$0x4] =	wrdreg $0xC0  }
0xac: {  	_ =	task [dreg:s8], $0x5FFFF  }
0xad: {  	[dreg:$0x1] =	wrdreg $0xFFFFFFFF  }
0xae: {  	[dreg:$0x0] =	wrdreg $0x60  }
0xaf: {  	[dreg:$0x2] =	wrdreg s2  }
0xb0: {  	[dreg:$0x3] =	wrdreg s18  }
0xb1: {  	[dreg:$0x4] =	wrdreg s24  }
0xb2: {  	[dreg:$0x5] =	wrdreg $0xA8000  }
0xb3: {  	[dreg:$0x6] =	wrdreg $0x9  }
0xb4: {  	_ =	task.clear_ibuf [dreg:s8], $0x7FFFF;
	_ =	strace $0x90000046  }
0xb5: {  	s29 =	simm.s32 $0x9;
	_ =	strace $0x8000004B  }
0xb6: {  	_ =	swait.ge [sflag:s29], $0x1  }
0xb7: {  	[sflag:s29] =	ssyncadd.s32 $0xFFFFFFFF  }
0xb8: {  	_ =	strace $0x9000004B  }
0xb9: {  	_ =	sfence  }
0xba: {  	s30 =	sld [smem:$0x0];
	_ =	sdelay $0x2  }
0xbb: {  	s31 =	sshll.u32 s1, $0xD;
	s1 =	sshrl.u32 s1, $0x2  }
0xbc: {  	s3 =	sand.u32 $0x4000, s31;
	s1 =	sadd.s32 s1, s30  }
0xbd: {  	s0 =	sor.u32 s3, s0;
	s1 =	sshll.u32 s1, $0x11  }
0xbe: {  	s0 =	sor.u32 s1, s0  }
0xbf: {  	s0 =	sadd.s32 $0x8F2B, s0  }
0xc0: {  	[sflag:s0] =	ssyncadd.remote.s32 $0x1  }
0xc1: {  	_ =	sfence.sel $0xFFFF  }
0xc2: {  	[dreg:$0x0] =	wrdreg $0xFFFFFFFF;
	(pc) =	sbr.abs _section_cstart, $3  }
0xc3: {  	[dreg:$0x1] =	wrdreg $0xFFFFFFFF  }
0xc4: {  	_ =	task.clear_ibuf [dreg:s8], $0x2FFFF;
	_ =	strace $0x9FFFFFFF  }
0xc5: {  	(tm) =	ssettm $0x7FFFFFFF  }
tec
execute0_lowered:
.L_overlay_start_1:
0x0: {  	(tag) =	ssettag $0x1  }
0x1: {  	s1 =	rddreg [dreg:$0x0]  }
0x2: {  	s10 =	rddreg [dreg:$0x1]  }
0x3: {  	s11 =	rddreg [dreg:$0x2]  }
0x4: {  	s2 =	rddreg [dreg:$0x3]  }
0x5: {  	s3 =	srdreg.scid;
	s0 =	rddreg [dreg:$0x4]  }
0x6: {  	s4 =	simm.s32 $0x0;
	s15 =	simm.s32 $0x1400;
	s16 =	simm.s32 $0x80  }
0x7: {  	s17 =	simm.s32 $0x2800;
	s18 =	simm.s32 $0x1;
	s19 =	simm.s32 $0x6800  }
0x8: {  	s20 =	simm.s32 $0x2;
	s21 =	simm.s32 $0x3;
	s22 =	simm.s32 $0x4  }
0x9: {  	s23 =	simm.s32 $0x2780;
	s6 =	sand.u32 $0x1, s3;
	s3 =	stileid.u32  }
0xa: {  	s24 =	simm.s32 $0x0;
	[smem:$0x7FF] =	sst s4;
	s7 =	smul.u32 $0x140000, s6  }
0xb: {  	s5 =	sadd.s32 $0xA000, s11;
	s8 =	smul.u32 $0x14000, s3;
	_ =	strace $0x80000047  }
0xc: {  	s9 =	sshll.u32 s3, $0x1;
	s29 =	smul.u32 $0x50000, s3;
	s31 =	sshll.u32 s3, $0x6  }
0xd: {  	s28 =	sor.u32 s6, s9;
	s6 =	ssub.s32 $0x2, s6;
	s7 =	sadd.s32 s8, s7  }
0xe: {  	s8 =	smul.u32 $0x2800, s28;
	s12 =	sshrl.u32 s6, $0x1;
	s9 =	sshrl.u32 s29, $0x2  }
0xf: {  	s7 =	sshrl.u32 s7, $0x3;
	s12 =	ssub.s32 s6, s12;
	s13 =	sadd.s32 s9, s2  }
0x10: {  	s7 =	sadd.s32 s7, s11;
	s14 =	sshrl.u32 s8, $0x3;
	s13 =	sshrl.u32 s13, $0x3  }
0x11: {  	s6 =	sadd.s32 $0xC800, s7;
	s7 =	smax.u32 s12, $0x1;
	s8 =	sadd.s32 s10, s14  }
0x12: {  	s9 =	sadd.s32 s11, s14;
	s30 =	sadd.s32 $0x280, s14;
	s12 =	sor.u32 $0x1C05, s31  }
0x13: {  	s14 =	simm.s32 $0x5;
	s10 =	sadd.s32 s10, s30;
	s11 =	sadd.s32 s11, s30  }
.LBB2_1:
0x14: {  	_ =	strace $0x80000048  }
0x15: {  	[spmem:s13], [sflag:s12] =	dma.local [hbm:s5], $0x2800  }
0x16: {  	_ =	swait.ge [sflag:s14], $0x2800  }
0x17: {  	[sflag:s14] =	ssyncset.done $0x0  }
0x18: {  	[sflag:s14] =	ssyncadd.s32 $0xFFFFD800  }
0x19: {  	[bflag:$0x0] =	sbarrier.arrive $0xFFFF  }
0x1a: {  	_ =	strace $0x90000048  }
0x1b: {  	_ =	strace $0x80000049  }
0x1c: {  	[tilespmem:s4], [sflag:$0x5] =	stream.linear.gather [hbm4b:s8+s4], $0x1400, $0x200038;
	[tilespmem:$0x1E800] =	vst v63  }
0x1d: {  	_ =	swait.ge [sflag:s14], $0x1400  }
0x1e: {  	[sflag:s14] =	ssyncset.done $0x0  }
0x1f: {  	[sflag:s14] =	ssyncadd.s32 $0xFFFFEC00  }
0x20: {  	[tilespmem:s15], [sflag:$0x5] =	stream.linear.gather [hbm4b:s9+s4], $0x1400, $0x200038;
	[tilespmem:$0x1E800] =	vst v63  }
0x21: {  	_ =	swait.ge [sflag:s14], $0x1400  }
0x22: {  	[sflag:s14] =	ssyncset.done $0x0  }
0x23: {  	[sflag:s14] =	ssyncadd.s32 $0xFFFFEC00  }
0x24: {  	[tilespmem:s17], [sflag:$0x1] =	stream.indirect.gather [hbm4b:s1+s16], $0x80, s4, s16, $0x2000b8;
	[tilespmem:$0x1E800] =	vst v63  }
0x25: {  	_ =	swait.ge [sflag:s18], $0x4000  }
0x26: {  	[sflag:s18] =	ssyncset.done $0x0  }
0x27: {  	[sflag:s18] =	ssyncadd.s32 $0xFFFFC000  }
0x28: {  	[spmem:s2] =	stream.indirect.scatter.add.f32 [tilespmem:s17], [sflag:$0x3], $0x80, s15, s16, $0x2000b8;
	[tilespmem:$0x1E800] =	vst v63  }
0x29: {  	_ = 	snop  }
0x2a: {  	[tilespmem:s19], [sflag:$0x2] =	stream.indirect.gather [hbm4b:s1+s16], $0x80, s16, s16, $0x2000b8;
	[tilespmem:$0x1E800] =	vst v63  }
0x2b: {  	_ =	swait.ge [sflag:s20], $0x4000  }
0x2c: {  	[sflag:s20] =	ssyncset.done $0x0  }
0x2d: {  	s25 =	simm.s32 $0x1480;
	[sflag:s20] =	ssyncadd.s32 $0xFFFFC000  }
0x2e: {  	[spmem:s2] =	stream.indirect.scatter.add.f32 [tilespmem:s19], [sflag:$0x4], $0x80, s25, s16, $0x2000b8;
	[tilespmem:$0x1E800] =	vst v63  }
0x2f: {  	_ =	swait.ge [sflag:s21], $0x4000  }
0x30: {  	[sflag:s21] =	ssyncset.done $0x0  }
0x31: {  	s30 =	simm.s32 $0x100;
	[sflag:s21] =	ssyncadd.s32 $0xFFFFC000  }
0x32: {  	[tilespmem:s17], [sflag:$0x1] =	stream.indirect.gather [hbm4b:s1+s16], $0x80, s30, s16, $0x2000b8;
	[tilespmem:$0x1E800] =	vst v63  }
0x33: {  	_ =	swait.ge [sflag:s18], $0x4000  }
0x34: {  	[sflag:s18] =	ssyncset.done $0x0  }
0x35: {  	s31 =	simm.s32 $0x1500;
	[sflag:s18] =	ssyncadd.s32 $0xFFFFC000  }
0x36: {  	[spmem:s2] =	stream.indirect.scatter.add.f32 [tilespmem:s17], [sflag:$0x3], $0x80, s31, s16, $0x2000b8;
	[tilespmem:$0x1E800] =	vst v63  }
0x37: {  	_ =	swait.ge [sflag:s22], $0x4000  }
0x38: {  	[sflag:s22] =	ssyncset.done $0x0  }
0x39: {  	s26 =	simm.s32 $0x180;
	s25 =	simm.s32 $0xFFFFB800;
	[sflag:s22] =	ssyncadd.s32 $0xFFFFC000  }
.LBB2_2:
0x3a: {  	[tilespmem:s19], [sflag:$0x2] =	stream.indirect.gather [hbm4b:s1+s16], $0x80, s26, s16, $0x2000b8;
	[tilespmem:$0x1E800] =	vst v63  }
0x3b: {  	s26 =	smov.u32 s25  }
0x3c: {  	p0 =	sne.s32 s25, $0xFFFFFC00;
	s25 =	sadd.s32 $0x400, s25;
	_ =	swait.ge [sflag:s20], $0x4000  }
0x3d: {  	s26 =	sshra.s32 s26, $0x2;
	[sflag:s20] =	ssyncset.done $0x0  }
0x3e: {  	s28 =	sadd.s32 $0x2780, s26;
	[sflag:s20] =	ssyncadd.s32 $0xFFFFC000  }
0x3f: {  	[spmem:s2] =	stream.indirect.scatter.add.f32 [tilespmem:s19], [sflag:$0x4], $0x80, s28, s16, $0x2000b8;
	[tilespmem:$0x1E800] =	vst v63  }
0x40: {  	_ =	swait.ge [sflag:s21], $0x4000  }
0x41: {  	[sflag:s21] =	ssyncset.done $0x0  }
0x42: {  	s28 =	sadd.s32 $0x1400, s26;
	[sflag:s21] =	ssyncadd.s32 $0xFFFFC000  }
0x43: {  	[tilespmem:s17], [sflag:$0x1] =	stream.indirect.gather [hbm4b:s1+s16], $0x80, s28, s16, $0x2000b8;
	[tilespmem:$0x1E800] =	vst v63  }
0x44: {  	_ =	swait.ge [sflag:s18], $0x4000  }
0x45: {  	[sflag:s18] =	ssyncset.done $0x0  }
.Ltmp0:
0x46: {  	s28 =	sadd.s32 $0x2800, s26;
	[sflag:s18] =	ssyncadd.s32 $0xFFFFC000;
	(pc) =	sbr.rel @p0 .LBB2_2-.Ltmp0, $4  }
0x47: {  	[spmem:s2] =	stream.indirect.scatter.add.f32 [tilespmem:s17], [sflag:$0x3], $0x80, s28, s16, $0x2000b8;
	[tilespmem:$0x1E800] =	vst v63  }
0x48: {  	_ =	swait.ge [sflag:s22], $0x4000  }
0x49: {  	[sflag:s22] =	ssyncset.done $0x0  }
0x4a: {  	s26 =	sadd.s32 $0x1480, s26;
	[sflag:s22] =	ssyncadd.s32 $0xFFFFC000  }
0x4b: {  	[tilespmem:s19], [sflag:$0x2] =	stream.indirect.gather [hbm4b:s1+s16], $0x80, s26, s16, $0x2000b8;
	[tilespmem:$0x1E800] =	vst v63  }
0x4c: {  	_ =	swait.ge [sflag:s20], $0x4000  }
0x4d: {  	[sflag:s20] =	ssyncset.done $0x0  }
0x4e: {  	[sflag:s20] =	ssyncadd.s32 $0xFFFFC000  }
0x4f: {  	[spmem:s2] =	stream.indirect.scatter.add.f32 [tilespmem:s19], [sflag:$0x4], $0x80, s23, s16, $0x2000b8;
	[tilespmem:$0x1E800] =	vst v63  }
0x50: {  	_ =	swait.ge [sflag:s21], $0x4000  }
0x51: {  	[sflag:s21] =	ssyncset.done $0x0  }
0x52: {  	[sflag:s21] =	ssyncadd.s32 $0xFFFFC000  }
0x53: {  	_ =	swait.ge [sflag:s22], $0x4000  }
0x54: {  	[sflag:s22] =	ssyncset.done $0x0  }
0x55: {  	[sflag:s22] =	ssyncadd.s32 $0xFFFFC000  }
0x56: {  	[tilespmem:s4], [sflag:$0x5] =	stream.linear.gather [hbm4b:s10+s4], $0x1400, $0x200038;
	[tilespmem:$0x1E800] =	vst v63  }
0x57: {  	_ =	swait.ge [sflag:s14], $0x1400  }
0x58: {  	[sflag:s14] =	ssyncset.done $0x0  }
0x59: {  	[sflag:s14] =	ssyncadd.s32 $0xFFFFEC00  }
0x5a: {  	[tilespmem:s15], [sflag:$0x5] =	stream.linear.gather [hbm4b:s11+s4], $0x1400, $0x200038;
	[tilespmem:$0x1E800] =	vst v63  }
0x5b: {  	_ =	swait.ge [sflag:s14], $0x1400  }
0x5c: {  	[sflag:s14] =	ssyncset.done $0x0  }
0x5d: {  	[sflag:s14] =	ssyncadd.s32 $0xFFFFEC00  }
0x5e: {  	[tilespmem:s17], [sflag:$0x1] =	stream.indirect.gather [hbm4b:s1+s16], $0x80, s4, s16, $0x2000b8;
	[tilespmem:$0x1E800] =	vst v63  }
0x5f: {  	_ =	swait.ge [sflag:s18], $0x4000  }
0x60: {  	[sflag:s18] =	ssyncset.done $0x0  }
0x61: {  	[sflag:s18] =	ssyncadd.s32 $0xFFFFC000  }
0x62: {  	[spmem:s2] =	stream.indirect.scatter.add.f32 [tilespmem:s17], [sflag:$0x3], $0x80, s15, s16, $0x2000b8;
	[tilespmem:$0x1E800] =	vst v63  }
0x63: {  	_ = 	snop  }
0x64: {  	[tilespmem:s19], [sflag:$0x2] =	stream.indirect.gather [hbm4b:s1+s16], $0x80, s16, s16, $0x2000b8;
	[tilespmem:$0x1E800] =	vst v63  }
0x65: {  	_ =	swait.ge [sflag:s20], $0x4000  }
0x66: {  	[sflag:s20] =	ssyncset.done $0x0  }
0x67: {  	s25 =	simm.s32 $0x1480;
	[sflag:s20] =	ssyncadd.s32 $0xFFFFC000  }
0x68: {  	[spmem:s2] =	stream.indirect.scatter.add.f32 [tilespmem:s19], [sflag:$0x4], $0x80, s25, s16, $0x2000b8;
	[tilespmem:$0x1E800] =	vst v63  }
0x69: {  	_ =	swait.ge [sflag:s21], $0x4000  }
0x6a: {  	[sflag:s21] =	ssyncset.done $0x0  }
0x6b: {  	s30 =	simm.s32 $0x100;
	[sflag:s21] =	ssyncadd.s32 $0xFFFFC000  }
0x6c: {  	[tilespmem:s17], [sflag:$0x1] =	stream.indirect.gather [hbm4b:s1+s16], $0x80, s30, s16, $0x2000b8;
	[tilespmem:$0x1E800] =	vst v63  }
0x6d: {  	_ =	swait.ge [sflag:s18], $0x4000  }
0x6e: {  	[sflag:s18] =	ssyncset.done $0x0  }
0x6f: {  	s31 =	simm.s32 $0x1500;
	[sflag:s18] =	ssyncadd.s32 $0xFFFFC000  }
0x70: {  	[spmem:s2] =	stream.indirect.scatter.add.f32 [tilespmem:s17], [sflag:$0x3], $0x80, s31, s16, $0x2000b8;
	[tilespmem:$0x1E800] =	vst v63  }
0x71: {  	_ =	swait.ge [sflag:s22], $0x4000  }
0x72: {  	[sflag:s22] =	ssyncset.done $0x0  }
0x73: {  	s26 =	simm.s32 $0x180;
	s25 =	simm.s32 $0xFFFFB800;
	[sflag:s22] =	ssyncadd.s32 $0xFFFFC000  }
.LBB2_4:
0x74: {  	[tilespmem:s19], [sflag:$0x2] =	stream.indirect.gather [hbm4b:s1+s16], $0x80, s26, s16, $0x2000b8;
	[tilespmem:$0x1E800] =	vst v63  }
0x75: {  	s26 =	smov.u32 s25  }
0x76: {  	p0 =	sne.s32 s25, $0xFFFFFC00;
	s25 =	sadd.s32 $0x400, s25;
	_ =	swait.ge [sflag:s20], $0x4000  }
0x77: {  	s26 =	sshra.s32 s26, $0x2;
	[sflag:s20] =	ssyncset.done $0x0  }
0x78: {  	s28 =	sadd.s32 $0x2780, s26;
	[sflag:s20] =	ssyncadd.s32 $0xFFFFC000  }
0x79: {  	[spmem:s2] =	stream.indirect.scatter.add.f32 [tilespmem:s19], [sflag:$0x4], $0x80, s28, s16, $0x2000b8;
	[tilespmem:$0x1E800] =	vst v63  }
0x7a: {  	_ =	swait.ge [sflag:s21], $0x4000  }
0x7b: {  	[sflag:s21] =	ssyncset.done $0x0  }
0x7c: {  	s28 =	sadd.s32 $0x1400, s26;
	[sflag:s21] =	ssyncadd.s32 $0xFFFFC000  }
0x7d: {  	[tilespmem:s17], [sflag:$0x1] =	stream.indirect.gather [hbm4b:s1+s16], $0x80, s28, s16, $0x2000b8;
	[tilespmem:$0x1E800] =	vst v63  }
0x7e: {  	_ =	swait.ge [sflag:s18], $0x4000  }
0x7f: {  	[sflag:s18] =	ssyncset.done $0x0  }
.Ltmp1:
0x80: {  	s28 =	sadd.s32 $0x2800, s26;
	[sflag:s18] =	ssyncadd.s32 $0xFFFFC000;
	(pc) =	sbr.rel @p0 .LBB2_4-.Ltmp1, $4  }
0x81: {  	[spmem:s2] =	stream.indirect.scatter.add.f32 [tilespmem:s17], [sflag:$0x3], $0x80, s28, s16, $0x2000b8;
	[tilespmem:$0x1E800] =	vst v63  }
0x82: {  	_ =	swait.ge [sflag:s22], $0x4000  }
0x83: {  	[sflag:s22] =	ssyncset.done $0x0  }
0x84: {  	s26 =	sadd.s32 $0x1480, s26;
	[sflag:s22] =	ssyncadd.s32 $0xFFFFC000  }
0x85: {  	[tilespmem:s19], [sflag:$0x2] =	stream.indirect.gather [hbm4b:s1+s16], $0x80, s26, s16, $0x2000b8;
	[tilespmem:$0x1E800] =	vst v63  }
0x86: {  	_ =	swait.ge [sflag:s20], $0x4000  }
0x87: {  	[sflag:s20] =	ssyncset.done $0x0  }
0x88: {  	[sflag:s20] =	ssyncadd.s32 $0xFFFFC000  }
0x89: {  	[spmem:s2] =	stream.indirect.scatter.add.f32 [tilespmem:s19], [sflag:$0x4], $0x80, s23, s16, $0x2000b8;
	[tilespmem:$0x1E800] =	vst v63  }
0x8a: {  	_ =	swait.ge [sflag:s21], $0x4000  }
0x8b: {  	[sflag:s21] =	ssyncset.done $0x0  }
0x8c: {  	[sflag:s21] =	ssyncadd.s32 $0xFFFFC000  }
0x8d: {  	_ =	swait.ge [sflag:s22], $0x4000  }
0x8e: {  	[sflag:s22] =	ssyncset.done $0x0  }
0x8f: {  	[sflag:s22] =	ssyncadd.s32 $0xFFFFC000  }
0x90: {  	[bflag:$0x0] =	sbarrier.arrive $0xFFFF  }
0x91: {  	s24 =	sadd.s32 $0x1, s24;
	_ =	strace $0x90000049  }
0x92: {  	p0 =	sne.s32 s24, s7;
	_ =	strace $0x8000004A  }
0x93: {  	[hbm:s6], [sflag:s12] =	dma.local [spmem:s13], $0x2800  }
.Ltmp2:
0x94: {  	_ = 	snop;
	(pc) =	sbr.rel @p0 .LBB2_1-.Ltmp2, $4  }
0x95: {  	_ =	swait.ge [sflag:s14], $0x2800  }
0x96: {  	[sflag:s14] =	ssyncset.done $0x0  }
0x97: {  	[sflag:s14] =	ssyncadd.s32 $0xFFFFD800  }
0x98: {  	_ =	strace $0x9000004A  }
0x99: {  	_ =	sfence.sel $0x180000  }
0x9a: {  	[bflag:$0x0] =	sbarrier.arrive $0xFFFF  }
0x9b: {  	p0 =	sne.s32 s3, $0x0;
	_ =	strace $0x90000047  }
0x9c: {  	s0 =	sadd.s32 @!p0 $0x100000, s0;
	[bflag:$0x2] =	sbarrier.arrive $0xFFFF  }
0x9d: {  	[sflag:s0] =	ssyncadd.tile.s32 @!p0 $0x1;
	_ =	shalt  }
.Lfunc_end2:
_tile_overlayer_lowered:
.L_overlay_start_2:
0x9e: {  	(tag) =	ssettag $0x2  }
0x9f: {  	s0 =	rddreg [dreg:$0x0];
	s2 =	stileid.u32  }
0xa0: {  	s1 =	rddreg [dreg:$0x1];
	p0 =	sne.s32 s2, $0x0  }
0xa1: {  	s3 =	rddreg [dreg:$0x2];
	[bflag:$0x3] =	sbarrier.arrive $0xFFFF;
	s2 =	simm.s32 @!p0 $0x1C05  }
0xa2: {  	[timem:s3], [sflag:s2] =	dma.local @!p0 [hbm:s0], s1  }
0xa3: {  	s0 =	simm.s32 @!p0 $0x5  }
0xa4: {  	_ =	swait.ge @!p0 [sflag:s0], s1  }
0xa5: {  	s1 =	ssub.s32 @!p0 $0x0, s1;
	[sflag:s0] =	ssyncset.done @!p0 $0x0  }
0xa6: {  	[sflag:s0] =	ssyncadd.s32 @!p0 s1  }
0xa7: {  	[bflag:$0x3] =	sbarrier.arrive $0xFFFF  }
0xa8: {  	_ =	shalt  }

</sc_bundles>
